<compile_context>
chip_gen: v7x
topology: tpu7x:2x2x1
jax: 0.10.2.dev20260603
libtpu: 0.0.44.dev20260713+nightly
codegen_flags: <defaults>
</compile_context>

<pallas_src>
import functools

import jax
import jax.numpy as jnp
from jax import lax
from jax.experimental import pallas as pl
from jax.experimental.pallas import tpu as pltpu
from jax.experimental.pallas import tpu_sc as plsc

DEPTH_LO = 0.1
DEPTH_HI = 10.0
N_SAMPLES = 128
N_BINS = 128

_LANES = 16


def _bounds(lo, hi, n):
    center = jnp.linspace(lo, hi, n, dtype=jnp.float32)
    mids = 0.5 * (center[1:] + center[:-1])
    upper = jnp.concatenate([mids, center[-1:]], axis=-1)
    lower = jnp.concatenate([center[:1], mids], axis=-1)
    return lower, center, upper


def _sc_gather_bounds(depth, bl, bu, n_workers, chunk):
    mesh = plsc.VectorSubcoreMesh(core_axis_name="c", subcore_axis_name="s")
    B = depth.shape[0]

    @functools.partial(
        pl.kernel,
        mesh=mesh,
        out_type=jax.ShapeDtypeStruct((2, B), jnp.float32),
        scratch_types=[
            pltpu.VMEM((chunk,), jnp.float32),
            pltpu.VMEM((N_BINS,), jnp.float32),
            pltpu.VMEM((N_BINS,), jnp.float32),
            pltpu.VMEM((chunk,), jnp.float32),
            pltpu.VMEM((chunk,), jnp.float32),
        ],
        compiler_params=pltpu.CompilerParams(needs_layout_passes=False),
    )
    def sc_kernel(depth_hbm, bl_hbm, bu_hbm, lu_hbm, d_v, bl_v, bu_v, lo_v, up_v):
        num_cores = jax.lax.axis_size("c")
        wid = lax.axis_index("s") * num_cores + lax.axis_index("c")
        base = wid * chunk
        pltpu.sync_copy(depth_hbm.at[pl.ds(base, chunk)], d_v)
        pltpu.sync_copy(bl_hbm, bl_v)
        pltpu.sync_copy(bu_hbm, bu_v)

        def body(i, carry):
            d16 = d_v[pl.ds(i * _LANES, _LANES)]
            b = (d16 - DEPTH_LO) / (DEPTH_HI - DEPTH_LO) * (N_BINS - 1)
            below = jnp.maximum(b - 1.0, 0.0).astype(jnp.int32)
            below = jnp.minimum(below, N_BINS - 1)
            above = jnp.minimum(b + 1.0, float(N_BINS - 1)).astype(jnp.int32)
            above = jnp.clip(above, 0, N_BINS - 1)
            lo_v[pl.ds(i * _LANES, _LANES)] = plsc.load_gather(bl_v, [below])
            up_v[pl.ds(i * _LANES, _LANES)] = plsc.load_gather(bu_v, [above])
            return carry

        lax.fori_loop(0, chunk // _LANES, body, 0)
        pltpu.sync_copy(lo_v, lu_hbm.at[0, pl.ds(base, chunk)])
        pltpu.sync_copy(up_v, lu_hbm.at[1, pl.ds(base, chunk)])

    return sc_kernel(depth, bl, bu)


def _tc_expand_body(od_ref, lu_ref, wz_ref, wp_ref, p3_ref, z_ref, s_ref):
    od = od_ref[...]
    lu = lu_ref[...]
    lo = lu[0:1]
    up = lu[1:2]
    d3 = od[3:6]
    g = d3 * lo
    h = d3 * up
    dims = (((0,), (0,)), ((), ()))
    z = lax.dot_general(
        lu.astype(jnp.bfloat16),
        wz_ref[...].astype(jnp.bfloat16),
        dims,
        precision=lax.Precision.DEFAULT,
        preferred_element_type=jnp.float32,
    )
    z_ref[...] = z
    s_ref[...] = z
    for c in range(3):
        xc = jnp.concatenate([od[c : c + 1], g[c : c + 1], h[c : c + 1]], axis=0)
        p3_ref[c] = lax.dot_general(
            xc.astype(jnp.bfloat16),
            wp_ref[...].astype(jnp.bfloat16),
            dims,
            precision=lax.Precision.DEFAULT,
            preferred_element_type=jnp.float32,
        )


def kernel(rays_o, rays_d, depth, bins):
    del bins
    B = depth.shape[0]
    n_workers = 32
    chunk = B // n_workers

    bin_lower, _, bin_upper = _bounds(DEPTH_LO, DEPTH_HI, N_BINS)
    _, t, _ = _bounds(0.0, 1.0, N_SAMPLES)

    lu = _sc_gather_bounds(depth, bin_lower, bin_upper, n_workers, chunk)

    od = jnp.concatenate([rays_o.T, rays_d.T], axis=0)
    one_m_t = 1.0 - t
    wz = jnp.stack([one_m_t, t])
    wp = jnp.stack([jnp.ones((N_SAMPLES,), jnp.float32), one_m_t, t])

    R = 4096
    num_blocks = B // R
    p3, z, s = pl.pallas_call(
        _tc_expand_body,
        grid=(num_blocks,),
        in_specs=[
            pl.BlockSpec((6, R), lambda i: (0, i)),
            pl.BlockSpec((2, R), lambda i: (0, i)),
            pl.BlockSpec((2, N_SAMPLES), lambda i: (0, 0)),
            pl.BlockSpec((3, N_SAMPLES), lambda i: (0, 0)),
        ],
        out_specs=[
            pl.BlockSpec((3, R, N_SAMPLES), lambda i: (0, i, 0)),
            pl.BlockSpec((R, N_SAMPLES), lambda i: (i, 0)),
            pl.BlockSpec((R, N_SAMPLES), lambda i: (i, 0)),
        ],
        out_shape=[
            jax.ShapeDtypeStruct((3, B, N_SAMPLES), jnp.float32),
            jax.ShapeDtypeStruct((B, N_SAMPLES), jnp.float32),
            jax.ShapeDtypeStruct((B, N_SAMPLES), jnp.float32),
        ],
        compiler_params=pltpu.CompilerParams(
            dimension_semantics=("arbitrary",),
        ),
    )(od, lu, wz, wp)

    pts = jnp.transpose(p3, (1, 2, 0))
    return pts, z, s

# --- scband reference (transcript-rebuilt; emitter-appended) ---
"""Pipeline reference for scband-adaptive-sampler-63170378989665 (READ-ONLY COPY).

The authoritative reference and input builder live on the scoring server;
editing this copy changes nothing except your own understanding.
"""

import jax, jax.numpy as jnp
import numpy as np

DEPTH_LO = 0.1
DEPTH_HI = 10.0
N_SAMPLES = 128
N_BINS = 128


def _get_bounds(lo, hi, n):
    center = jnp.linspace(lo, hi, n, dtype=jnp.float32)
    mids = 0.5 * (center[1:] + center[:-1])
    upper = jnp.concatenate([mids, center[-1:]], axis=-1)
    lower = jnp.concatenate([center[:1], mids], axis=-1)
    return lower, center, upper


def setup_inputs(seed: int = 0):
    key = jax.random.key(seed)
    k1, k2, k3, k4 = jax.random.split(key, 4)
    B = 65536
    return {
        "rays_o": jax.random.normal(k1, (B, 3), dtype=jnp.float32),
        "rays_d": jax.random.normal(k2, (B, 3), dtype=jnp.float32),
        "depth": jax.random.uniform(k3, (B,), dtype=jnp.float32),
        "bins": jax.random.uniform(k4, (B, 1), dtype=jnp.float32),
    }


def reference(rays_o, rays_d, depth, bins):
    # perturb_sample=False, spherical=False, lindisp=False, include_neighbor_bins=True
    bin_lower, bin_center, bin_upper = _get_bounds(DEPTH_LO, DEPTH_HI, N_BINS)
    s_lower, s_center, s_upper = _get_bounds(0.0, 1.0, N_SAMPLES)
    t = s_center  # (N_SAMPLES,)
    # depth is not None branch; lindisp=False so r = depth directly
    r = depth
    b = (r - DEPTH_LO) / (DEPTH_HI - DEPTH_LO) * (N_BINS - 1)
    # include_neighbor_bins=True; torch .to(long) truncates toward zero, same as astype
    bin_below = jnp.maximum(b - 1.0, 0.0).astype(jnp.int32)
    bin_above = jnp.minimum(b + 1.0, float(N_BINS - 1)).astype(jnp.int32)
    sample_lower = bin_lower[bin_below][:, None]  # (B, 1)
    sample_upper = bin_upper[bin_above][:, None]  # (B, 1)
    s = sample_lower + (sample_upper - sample_lower) * t  # (B, N_SAMPLES)
    z = s  # lindisp=False -> z = s
    pts = rays_o[..., None, :] + rays_d[..., None, :] * z[..., None]  # (B, N, 3)
    return pts, z, s

if __name__ == "__main__":
    import jax
    _d = setup_inputs()
    print(jax.jit(kernel)(*tuple(_d.values())))

</pallas_src>

<mosaic_0001>
#map = affine_map<(d0, d1) -> (0)>
#map1 = affine_map<(d0, d1) -> (0, 0)>
module attributes {stable_mosaic.version = 14 : i64} {
  func.func @sc_kernel(%arg0: i32, %arg1: i32, %arg2: memref<65536xf32, #tpu.memory_space<hbm>>, %arg3: memref<128xf32, #tpu.memory_space<hbm>>, %arg4: memref<128xf32, #tpu.memory_space<hbm>>, %arg5: memref<2x65536xf32, #tpu.memory_space<hbm>>, %arg6: memref<2048xf32, #tpu.memory_space<vmem>>, %arg7: memref<128xf32, #tpu.memory_space<vmem>>, %arg8: memref<128xf32, #tpu.memory_space<vmem>>, %arg9: memref<2048xf32, #tpu.memory_space<vmem>>, %arg10: memref<2048xf32, #tpu.memory_space<vmem>>) attributes {dimension_semantics = [#tpu.dimension_semantics<core_parallel>, #tpu.dimension_semantics<subcore_parallel>], iteration_bounds = array<i64: 2, 16>, scalar_prefetch = 0 : i64, scratch_operands = 5 : i64, tpu.core_type = #tpu.core_type<sc_vector_subcore>, window_params = [{transform_indices = #map}, {transform_indices = #map}, {transform_indices = #map}, {transform_indices = #map1}]} {
    %mul3A = arith.constant 2 : i32
    %mul3A_0 = arith.muli %arg1, %mul3A : i32
    %add3A = arith.addi %mul3A_0, %arg0 : i32
    %mul3A_1 = arith.constant 2048 : i32
    %mul3A_2 = arith.muli %add3A, %mul3A_1 : i32
    "tpu.region"() ({
      %run_scoped3A_9 = tpu.sem_alloc : memref<!tpu.dma_semaphore, #tpu.memory_space<semaphore_mem>>
      %dma_start3A = tpu.memref_slice %arg2[%mul3A_2] : memref<65536xf32, #tpu.memory_space<hbm>> -> memref<2048xf32, #tpu.memory_space<hbm>>
      %dma_start3A_10 = tpu.memref_slice %arg2[%mul3A_2] : memref<65536xf32, #tpu.memory_space<hbm>> -> memref<2048xf32, #tpu.memory_space<hbm>>
      tpu.enqueue_dma source(%dma_start3A_10 : memref<2048xf32, #tpu.memory_space<hbm>>) target(%arg6 : memref<2048xf32, #tpu.memory_space<vmem>>) target_semaphore(%run_scoped3A_9 : memref<!tpu.dma_semaphore, #tpu.memory_space<semaphore_mem>>)
      %dma_wait3A = tpu.memref_slice %arg2[%mul3A_2] : memref<65536xf32, #tpu.memory_space<hbm>> -> memref<2048xf32, #tpu.memory_space<hbm>>
      %dma_wait3A_11 = tpu.memref_slice %arg2[%mul3A_2] : memref<65536xf32, #tpu.memory_space<hbm>> -> memref<2048xf32, #tpu.memory_space<hbm>>
      tpu.wait_dma2 semaphore(%run_scoped3A_9 : memref<!tpu.dma_semaphore, #tpu.memory_space<semaphore_mem>>) src(%dma_wait3A_11 : memref<2048xf32, #tpu.memory_space<hbm>>) dst(%arg6 : memref<2048xf32, #tpu.memory_space<vmem>>)
      tpu.yield
    }) : () -> ()
    "tpu.region"() ({
      %run_scoped3A_9 = tpu.sem_alloc : memref<!tpu.dma_semaphore, #tpu.memory_space<semaphore_mem>>
      tpu.enqueue_dma source(%arg3 : memref<128xf32, #tpu.memory_space<hbm>>) target(%arg7 : memref<128xf32, #tpu.memory_space<vmem>>) target_semaphore(%run_scoped3A_9 : memref<!tpu.dma_semaphore, #tpu.memory_space<semaphore_mem>>)
      tpu.wait_dma2 semaphore(%run_scoped3A_9 : memref<!tpu.dma_semaphore, #tpu.memory_space<semaphore_mem>>) src(%arg3 : memref<128xf32, #tpu.memory_space<hbm>>) dst(%arg7 : memref<128xf32, #tpu.memory_space<vmem>>)
      tpu.yield
    }) : () -> ()
    "tpu.region"() ({
      %run_scoped3A_9 = tpu.sem_alloc : memref<!tpu.dma_semaphore, #tpu.memory_space<semaphore_mem>>
      tpu.enqueue_dma source(%arg4 : memref<128xf32, #tpu.memory_space<hbm>>) target(%arg8 : memref<128xf32, #tpu.memory_space<vmem>>) target_semaphore(%run_scoped3A_9 : memref<!tpu.dma_semaphore, #tpu.memory_space<semaphore_mem>>)
      tpu.wait_dma2 semaphore(%run_scoped3A_9 : memref<!tpu.dma_semaphore, #tpu.memory_space<semaphore_mem>>) src(%arg4 : memref<128xf32, #tpu.memory_space<hbm>>) dst(%arg8 : memref<128xf32, #tpu.memory_space<vmem>>)
      tpu.yield
    }) : () -> ()
    %scan3A = arith.constant 0 : i32
    %scan3A_3 = arith.constant 0 : i32
    %scan3A_4 = arith.constant 128 : i32
    %scan3A_5 = arith.addi %scan3A_3, %scan3A_4 : i32
    %scan3A_6 = arith.constant 1 : i32
    scf.for %scan3A_9 = %scan3A_3 to %scan3A_5 step %scan3A_6  : i32 {
      %mul3A_10 = arith.constant 16 : i32
      %mul3A_11 = arith.muli %scan3A_9, %mul3A_10 : i32
      %get3A = arith.index_cast %mul3A_11 : i32 to index
      %get3A_12 = tpu.vector_load %arg6[%get3A] {strides = array<i32>} : memref<2048xf32, #tpu.memory_space<vmem>>, vector<16xf32>,
      %sub3A = arith.constant 1.000000e-01 : f32
      %sub3A_13 = vector.broadcast %sub3A : f32 to vector<16xf32>
      %sub3A_14 = arith.subf %get3A_12, %sub3A_13 : vector<16xf32>
      %div3A = arith.constant 9.89999961 : f32
      %div3A_15 = vector.broadcast %div3A : f32 to vector<16xf32>
      %div3A_16 = arith.divf %sub3A_14, %div3A_15 : vector<16xf32>
      %mul3A_17 = arith.constant 1.270000e+02 : f32
      %mul3A_18 = vector.broadcast %mul3A_17 : f32 to vector<16xf32>
      %mul3A_19 = arith.mulf %div3A_16, %mul3A_18 : vector<16xf32>
      %sub3A_20 = arith.constant 1.000000e+00 : f32
      %sub3A_21 = vector.broadcast %sub3A_20 : f32 to vector<16xf32>
      %sub3A_22 = arith.subf %mul3A_19, %sub3A_21 : vector<16xf32>
      %max3A = arith.constant 0.000000e+00 : f32
      %max3A_23 = vector.broadcast %max3A : f32 to vector<16xf32>
      %max3A_24 = arith.maximumf %sub3A_22, %max3A_23 : vector<16xf32>
      %convert_element_type3A = arith.fptosi %max3A_24 : vector<16xf32> to vector<16xi32>
      %min3A = arith.constant 127 : i32
      %min3A_25 = vector.broadcast %min3A : i32 to vector<16xi32>
      %min3A_26 = arith.minsi %convert_element_type3A, %min3A_25 : vector<16xi32>
      %add3A_27 = arith.constant 1.000000e+00 : f32
      %add3A_28 = vector.broadcast %add3A_27 : f32 to vector<16xf32>
      %add3A_29 = arith.addf %mul3A_19, %add3A_28 : vector<16xf32>
      %min3A_30 = arith.constant 1.270000e+02 : f32
      %min3A_31 = vector.broadcast %min3A_30 : f32 to vector<16xf32>
      %min3A_32 = arith.minimumf %add3A_29, %min3A_31 : vector<16xf32>
      %convert_element_type3A_33 = arith.fptosi %min3A_32 : vector<16xf32> to vector<16xi32>
      %jit3A = arith.constant 0 : i32
      %jit3A_34 = arith.constant 127 : i32
      %max3A_35 = vector.broadcast %jit3A : i32 to vector<16xi32>
      %max3A_36 = arith.maxsi %max3A_35, %convert_element_type3A_33 : vector<16xi32>
      %min3A_37 = vector.broadcast %jit3A_34 : i32 to vector<16xi32>
      %min3A_38 = arith.minsi %min3A_37, %max3A_36 : vector<16xi32>
      %gather3A = tpu.vector_load_idx %arg7[%min3A_26] : memref<128xf32, #tpu.memory_space<vmem>>[vector<16xi32>], vector<16xf32>,
      %mul3A_39 = arith.constant 16 : i32
      %mul3A_40 = arith.muli %scan3A_9, %mul3A_39 : i32
      %swap3A = arith.index_cast %mul3A_40 : i32 to index
      %swap3A_41 = tpu.vector_load %arg9[%swap3A] {strides = array<i32>} : memref<2048xf32, #tpu.memory_space<vmem>>, vector<16xf32>,
      tpu.vector_store %arg9[%swap3A], %gather3A {strides = array<i32>} : memref<2048xf32, #tpu.memory_space<vmem>>, vector<16xf32>,
      %gather3A_42 = tpu.vector_load_idx %arg8[%min3A_38] : memref<128xf32, #tpu.memory_space<vmem>>[vector<16xi32>], vector<16xf32>,
      %mul3A_43 = arith.constant 16 : i32
      %mul3A_44 = arith.muli %scan3A_9, %mul3A_43 : i32
      %swap3A_45 = arith.index_cast %mul3A_44 : i32 to index
      %swap3A_46 = tpu.vector_load %arg10[%swap3A_45] {strides = array<i32>} : memref<2048xf32, #tpu.memory_space<vmem>>, vector<16xf32>,
      tpu.vector_store %arg10[%swap3A_45], %gather3A_42 {strides = array<i32>} : memref<2048xf32, #tpu.memory_space<vmem>>, vector<16xf32>,
    }
    %scan3A_7 = arith.constant 128 : i32
    %run_scoped3A = arith.constant 0 : i32
    "tpu.region"() ({
      %run_scoped3A_9 = tpu.sem_alloc : memref<!tpu.dma_semaphore, #tpu.memory_space<semaphore_mem>>
      %dma_start3A = tpu.memref_slice %arg5[%run_scoped3A, %mul3A_2] : memref<2x65536xf32, #tpu.memory_space<hbm>> -> memref<1x2048xf32, #tpu.memory_space<hbm>>
      %dma_start3A_10 = tpu.memref_squeeze %dma_start3A : memref<1x2048xf32, #tpu.memory_space<hbm>> -> memref<2048xf32, #tpu.memory_space<hbm>>
      %dma_start3A_11 = tpu.memref_slice %arg5[%run_scoped3A, %mul3A_2] : memref<2x65536xf32, #tpu.memory_space<hbm>> -> memref<1x2048xf32, #tpu.memory_space<hbm>>
      %dma_start3A_12 = tpu.memref_squeeze %dma_start3A_11 : memref<1x2048xf32, #tpu.memory_space<hbm>> -> memref<2048xf32, #tpu.memory_space<hbm>>
      tpu.enqueue_dma source(%arg9 : memref<2048xf32, #tpu.memory_space<vmem>>) target(%dma_start3A_12 : memref<2048xf32, #tpu.memory_space<hbm>>) target_semaphore(%run_scoped3A_9 : memref<!tpu.dma_semaphore, #tpu.memory_space<semaphore_mem>>)
      %dma_wait3A = tpu.memref_slice %arg5[%run_scoped3A, %mul3A_2] : memref<2x65536xf32, #tpu.memory_space<hbm>> -> memref<1x2048xf32, #tpu.memory_space<hbm>>
      %dma_wait3A_13 = tpu.memref_squeeze %dma_wait3A : memref<1x2048xf32, #tpu.memory_space<hbm>> -> memref<2048xf32, #tpu.memory_space<hbm>>
      %dma_wait3A_14 = tpu.memref_slice %arg5[%run_scoped3A, %mul3A_2] : memref<2x65536xf32, #tpu.memory_space<hbm>> -> memref<1x2048xf32, #tpu.memory_space<hbm>>
      %dma_wait3A_15 = tpu.memref_squeeze %dma_wait3A_14 : memref<1x2048xf32, #tpu.memory_space<hbm>> -> memref<2048xf32, #tpu.memory_space<hbm>>
      tpu.wait_dma2 semaphore(%run_scoped3A_9 : memref<!tpu.dma_semaphore, #tpu.memory_space<semaphore_mem>>) src(%arg9 : memref<2048xf32, #tpu.memory_space<vmem>>) dst(%dma_wait3A_15 : memref<2048xf32, #tpu.memory_space<hbm>>)
      tpu.yield
    }) : () -> ()
    %run_scoped3A_8 = arith.constant 1 : i32
    "tpu.region"() ({
      %run_scoped3A_9 = tpu.sem_alloc : memref<!tpu.dma_semaphore, #tpu.memory_space<semaphore_mem>>
      %dma_start3A = tpu.memref_slice %arg5[%run_scoped3A_8, %mul3A_2] : memref<2x65536xf32, #tpu.memory_space<hbm>> -> memref<1x2048xf32, #tpu.memory_space<hbm>>
      %dma_start3A_10 = tpu.memref_squeeze %dma_start3A : memref<1x2048xf32, #tpu.memory_space<hbm>> -> memref<2048xf32, #tpu.memory_space<hbm>>
      %dma_start3A_11 = tpu.memref_slice %arg5[%run_scoped3A_8, %mul3A_2] : memref<2x65536xf32, #tpu.memory_space<hbm>> -> memref<1x2048xf32, #tpu.memory_space<hbm>>
      %dma_start3A_12 = tpu.memref_squeeze %dma_start3A_11 : memref<1x2048xf32, #tpu.memory_space<hbm>> -> memref<2048xf32, #tpu.memory_space<hbm>>
      tpu.enqueue_dma source(%arg10 : memref<2048xf32, #tpu.memory_space<vmem>>) target(%dma_start3A_12 : memref<2048xf32, #tpu.memory_space<hbm>>) target_semaphore(%run_scoped3A_9 : memref<!tpu.dma_semaphore, #tpu.memory_space<semaphore_mem>>)
      %dma_wait3A = tpu.memref_slice %arg5[%run_scoped3A_8, %mul3A_2] : memref<2x65536xf32, #tpu.memory_space<hbm>> -> memref<1x2048xf32, #tpu.memory_space<hbm>>
      %dma_wait3A_13 = tpu.memref_squeeze %dma_wait3A : memref<1x2048xf32, #tpu.memory_space<hbm>> -> memref<2048xf32, #tpu.memory_space<hbm>>
      %dma_wait3A_14 = tpu.memref_slice %arg5[%run_scoped3A_8, %mul3A_2] : memref<2x65536xf32, #tpu.memory_space<hbm>> -> memref<1x2048xf32, #tpu.memory_space<hbm>>
      %dma_wait3A_15 = tpu.memref_squeeze %dma_wait3A_14 : memref<1x2048xf32, #tpu.memory_space<hbm>> -> memref<2048xf32, #tpu.memory_space<hbm>>
      tpu.wait_dma2 semaphore(%run_scoped3A_9 : memref<!tpu.dma_semaphore, #tpu.memory_space<semaphore_mem>>) src(%arg10 : memref<2048xf32, #tpu.memory_space<vmem>>) dst(%dma_wait3A_15 : memref<2048xf32, #tpu.memory_space<hbm>>)
      tpu.yield
    }) : () -> ()
    return
  }
}

module attributes {stable_mosaic.version = 14 : i64} {
  func.func @_tc_expand_body(%arg0: i32, %arg1: memref<6x4096xf32, #tpu.memory_space<vmem>>, %arg2: memref<2x4096xf32, #tpu.memory_space<vmem>>, %arg3: memref<2x128xf32, #tpu.memory_space<vmem>>, %arg4: memref<3x128xf32, #tpu.memory_space<vmem>>, %arg5: memref<3x4096x128xf32, #tpu.memory_space<vmem>>, %arg6: memref<4096x128xf32, #tpu.memory_space<vmem>>, %arg7: memref<4096x128xf32, #tpu.memory_space<vmem>>) attributes {dimension_semantics = [#tpu.dimension_semantics<arbitrary>], iteration_bounds = array<i64: 16>, scalar_prefetch = 0 : i64, scratch_operands = 0 : i64, tpu.core_type = #tpu.core_type<tc>, window_params = [{transform_indices = @transform_0, window_bounds = array<i64: 6, 4096>}, {transform_indices = @transform_1, window_bounds = array<i64: 2, 4096>}, {pipeline_mode = #tpu.pipeline_mode<synchronous>, transform_indices = @transform_2, window_bounds = array<i64: 2, 128>}, {pipeline_mode = #tpu.pipeline_mode<synchronous>, transform_indices = @transform_3, window_bounds = array<i64: 3, 128>}, {transform_indices = @transform_4, window_bounds = array<i64: 3, 4096, 128>}, {transform_indices = @transform_5, window_bounds = array<i64: 4096, 128>}, {transform_indices = @transform_6, window_bounds = array<i64: 4096, 128>}]} {
    %get3A = arith.constant 0 : index
    %get3A_0 = arith.constant 0 : index
    %get3A_1 = vector.load %arg1[%get3A, %get3A_0] : memref<6x4096xf32, #tpu.memory_space<vmem>>, vector<6x4096xf32>
    %get3A_2 = arith.constant 0 : index
    %get3A_3 = arith.constant 0 : index
    %get3A_4 = vector.load %arg2[%get3A_2, %get3A_3] : memref<2x4096xf32, #tpu.memory_space<vmem>>, vector<2x4096xf32>
    %slice3A = vector.extract_strided_slice %get3A_4 {offsets = [0, 0], sizes = [1, 4096], strides = [1, 1]} : vector<2x4096xf32> to vector<1x4096xf32>
    %slice3A_5 = vector.extract_strided_slice %get3A_4 {offsets = [1, 0], sizes = [1, 4096], strides = [1, 1]} : vector<2x4096xf32> to vector<1x4096xf32>
    %slice3A_6 = vector.extract_strided_slice %get3A_1 {offsets = [3, 0], sizes = [3, 4096], strides = [1, 1]} : vector<6x4096xf32> to vector<3x4096xf32>
    %mul3A = vector.broadcast %slice3A : vector<1x4096xf32> to vector<3x4096xf32>
    %mul3A_7 = arith.mulf %slice3A_6, %mul3A : vector<3x4096xf32>
    %mul3A_8 = vector.broadcast %slice3A_5 : vector<1x4096xf32> to vector<3x4096xf32>
    %mul3A_9 = arith.mulf %slice3A_6, %mul3A_8 : vector<3x4096xf32>
    %convert_element_type3A = arith.truncf %get3A_4 : vector<2x4096xf32> to vector<2x4096xbf16>
    %get3A_10 = arith.constant 0 : index
    %get3A_11 = arith.constant 0 : index
    %get3A_12 = vector.load %arg3[%get3A_10, %get3A_11] : memref<2x128xf32, #tpu.memory_space<vmem>>, vector<2x128xf32>
    %convert_element_type3A_13 = arith.truncf %get3A_12 : vector<2x128xf32> to vector<2x128xbf16>
    %dot_general3A = arith.constant dense<0.000000e+00> : vector<4096x128xf32>
    %dot_general3A_14 = tpu.matmul %convert_element_type3A, %convert_element_type3A_13, %dot_general3A {dimension_numbers = #tpu.dot_dimension_numbers<[0], [0], [1], [1], [0, 1, 1, 1], [], []>, transpose_lhs_hint = false} : vector<2x4096xbf16>, vector<2x128xbf16>, vector<4096x128xf32> -> vector<4096x128xf32>
    %swap3A = arith.constant 0 : index
    %swap3A_15 = arith.constant 0 : index
    %swap3A_16 = vector.load %arg6[%swap3A, %swap3A_15] : memref<4096x128xf32, #tpu.memory_space<vmem>>, vector<4096x128xf32>
    tpu.vector_store %arg6[%swap3A, %swap3A_15], %dot_general3A_14 {strides = array<i32>} : memref<4096x128xf32, #tpu.memory_space<vmem>>, vector<4096x128xf32>,
    %swap3A_17 = arith.constant 0 : index
    %swap3A_18 = arith.constant 0 : index
    %swap3A_19 = vector.load %arg7[%swap3A_17, %swap3A_18] : memref<4096x128xf32, #tpu.memory_space<vmem>>, vector<4096x128xf32>
    tpu.vector_store %arg7[%swap3A_17, %swap3A_18], %dot_general3A_14 {strides = array<i32>} : memref<4096x128xf32, #tpu.memory_space<vmem>>, vector<4096x128xf32>,
    %slice3A_20 = vector.extract_strided_slice %get3A_1 {offsets = [0, 0], sizes = [1, 4096], strides = [1, 1]} : vector<6x4096xf32> to vector<1x4096xf32>
    %slice3A_21 = vector.extract_strided_slice %mul3A_7 {offsets = [0, 0], sizes = [1, 4096], strides = [1, 1]} : vector<3x4096xf32> to vector<1x4096xf32>
    %slice3A_22 = vector.extract_strided_slice %mul3A_9 {offsets = [0, 0], sizes = [1, 4096], strides = [1, 1]} : vector<3x4096xf32> to vector<1x4096xf32>
    %concatenate3A = tpu.concatenate %slice3A_20, %slice3A_21, %slice3A_22 in 0 : vector<1x4096xf32>, vector<1x4096xf32>, vector<1x4096xf32> -> vector<3x4096xf32>
    %convert_element_type3A_23 = arith.truncf %concatenate3A : vector<3x4096xf32> to vector<3x4096xbf16>
    %get3A_24 = arith.constant 0 : index
    %get3A_25 = arith.constant 0 : index
    %get3A_26 = vector.load %arg4[%get3A_24, %get3A_25] : memref<3x128xf32, #tpu.memory_space<vmem>>, vector<3x128xf32>
    %convert_element_type3A_27 = arith.truncf %get3A_26 : vector<3x128xf32> to vector<3x128xbf16>
    %dot_general3A_28 = arith.constant dense<0.000000e+00> : vector<4096x128xf32>
    %dot_general3A_29 = tpu.matmul %convert_element_type3A_23, %convert_element_type3A_27, %dot_general3A_28 {dimension_numbers = #tpu.dot_dimension_numbers<[0], [0], [1], [1], [0, 1, 1, 1], [], []>, transpose_lhs_hint = false} : vector<3x4096xbf16>, vector<3x128xbf16>, vector<4096x128xf32> -> vector<4096x128xf32>
    %swap3A_30 = arith.constant 0 : index
    %swap3A_31 = arith.constant 0 : index
    %swap3A_32 = arith.constant 0 : index
    %swap3A_33 = vector.load %arg5[%swap3A_30, %swap3A_31, %swap3A_32] : memref<3x4096x128xf32, #tpu.memory_space<vmem>>, vector<1x4096x128xf32>
    %swap3A_34 = vector.shape_cast %swap3A_33 : vector<1x4096x128xf32> to vector<4096x128xf32>
    %swap3A_35 = vector.shape_cast %dot_general3A_29 : vector<4096x128xf32> to vector<1x4096x128xf32>
    tpu.vector_store %arg5[%swap3A_30, %swap3A_31, %swap3A_32], %swap3A_35 {strides = array<i32>} : memref<3x4096x128xf32, #tpu.memory_space<vmem>>, vector<1x4096x128xf32>,
    %slice3A_36 = vector.extract_strided_slice %get3A_1 {offsets = [1, 0], sizes = [1, 4096], strides = [1, 1]} : vector<6x4096xf32> to vector<1x4096xf32>
    %slice3A_37 = vector.extract_strided_slice %mul3A_7 {offsets = [1, 0], sizes = [1, 4096], strides = [1, 1]} : vector<3x4096xf32> to vector<1x4096xf32>
    %slice3A_38 = vector.extract_strided_slice %mul3A_9 {offsets = [1, 0], sizes = [1, 4096], strides = [1, 1]} : vector<3x4096xf32> to vector<1x4096xf32>
    %concatenate3A_39 = tpu.concatenate %slice3A_36, %slice3A_37, %slice3A_38 in 0 : vector<1x4096xf32>, vector<1x4096xf32>, vector<1x4096xf32> -> vector<3x4096xf32>
    %convert_element_type3A_40 = arith.truncf %concatenate3A_39 : vector<3x4096xf32> to vector<3x4096xbf16>
    %get3A_41 = arith.constant 0 : index
    %get3A_42 = arith.constant 0 : index
    %get3A_43 = vector.load %arg4[%get3A_41, %get3A_42] : memref<3x128xf32, #tpu.memory_space<vmem>>, vector<3x128xf32>
    %convert_element_type3A_44 = arith.truncf %get3A_43 : vector<3x128xf32> to vector<3x128xbf16>
    %dot_general3A_45 = arith.constant dense<0.000000e+00> : vector<4096x128xf32>
    %dot_general3A_46 = tpu.matmul %convert_element_type3A_40, %convert_element_type3A_44, %dot_general3A_45 {dimension_numbers = #tpu.dot_dimension_numbers<[0], [0], [1], [1], [0, 1, 1, 1], [], []>, transpose_lhs_hint = false} : vector<3x4096xbf16>, vector<3x128xbf16>, vector<4096x128xf32> -> vector<4096x128xf32>
    %swap3A_47 = arith.constant 1 : index
    %swap3A_48 = arith.constant 0 : index
    %swap3A_49 = arith.constant 0 : index
    %swap3A_50 = vector.load %arg5[%swap3A_47, %swap3A_48, %swap3A_49] : memref<3x4096x128xf32, #tpu.memory_space<vmem>>, vector<1x4096x128xf32>
    %swap3A_51 = vector.shape_cast %swap3A_50 : vector<1x4096x128xf32> to vector<4096x128xf32>
    %swap3A_52 = vector.shape_cast %dot_general3A_46 : vector<4096x128xf32> to vector<1x4096x128xf32>
    tpu.vector_store %arg5[%swap3A_47, %swap3A_48, %swap3A_49], %swap3A_52 {strides = array<i32>} : memref<3x4096x128xf32, #tpu.memory_space<vmem>>, vector<1x4096x128xf32>,
    %slice3A_53 = vector.extract_strided_slice %get3A_1 {offsets = [2, 0], sizes = [1, 4096], strides = [1, 1]} : vector<6x4096xf32> to vector<1x4096xf32>
    %slice3A_54 = vector.extract_strided_slice %mul3A_7 {offsets = [2, 0], sizes = [1, 4096], strides = [1, 1]} : vector<3x4096xf32> to vector<1x4096xf32>
    %slice3A_55 = vector.extract_strided_slice %mul3A_9 {offsets = [2, 0], sizes = [1, 4096], strides = [1, 1]} : vector<3x4096xf32> to vector<1x4096xf32>
    %concatenate3A_56 = tpu.concatenate %slice3A_53, %slice3A_54, %slice3A_55 in 0 : vector<1x4096xf32>, vector<1x4096xf32>, vector<1x4096xf32> -> vector<3x4096xf32>
    %convert_element_type3A_57 = arith.truncf %concatenate3A_56 : vector<3x4096xf32> to vector<3x4096xbf16>
    %get3A_58 = arith.constant 0 : index
    %get3A_59 = arith.constant 0 : index
    %get3A_60 = vector.load %arg4[%get3A_58, %get3A_59] : memref<3x128xf32, #tpu.memory_space<vmem>>, vector<3x128xf32>
    %convert_element_type3A_61 = arith.truncf %get3A_60 : vector<3x128xf32> to vector<3x128xbf16>
    %dot_general3A_62 = arith.constant dense<0.000000e+00> : vector<4096x128xf32>
    %dot_general3A_63 = tpu.matmul %convert_element_type3A_57, %convert_element_type3A_61, %dot_general3A_62 {dimension_numbers = #tpu.dot_dimension_numbers<[0], [0], [1], [1], [0, 1, 1, 1], [], []>, transpose_lhs_hint = false} : vector<3x4096xbf16>, vector<3x128xbf16>, vector<4096x128xf32> -> vector<4096x128xf32>
    %swap3A_64 = arith.constant 2 : index
    %swap3A_65 = arith.constant 0 : index
    %swap3A_66 = arith.constant 0 : index
    %swap3A_67 = vector.load %arg5[%swap3A_64, %swap3A_65, %swap3A_66] : memref<3x4096x128xf32, #tpu.memory_space<vmem>>, vector<1x4096x128xf32>
    %swap3A_68 = vector.shape_cast %swap3A_67 : vector<1x4096x128xf32> to vector<4096x128xf32>
    %swap3A_69 = vector.shape_cast %dot_general3A_63 : vector<4096x128xf32> to vector<1x4096x128xf32>
    tpu.vector_store %arg5[%swap3A_64, %swap3A_65, %swap3A_66], %swap3A_69 {strides = array<i32>} : memref<3x4096x128xf32, #tpu.memory_space<vmem>>, vector<1x4096x128xf32>,
    return
  }
  func.func @transform_0(%arg0: i32) -> (i32, i32) {
    %c0_i32 = arith.constant 0 : i32
    %c0_i32_0 = arith.constant 0 : i32
    return %c0_i32, %arg0 : i32, i32
  }
  func.func @transform_1(%arg0: i32) -> (i32, i32) {
    %c0_i32 = arith.constant 0 : i32
    %c0_i32_0 = arith.constant 0 : i32
    return %c0_i32, %arg0 : i32, i32
  }
  func.func @transform_2(%arg0: i32) -> (i32, i32) {
    %c0_i32 = arith.constant 0 : i32
    %c0_i32_0 = arith.constant 0 : i32
    %c0_i32_1 = arith.constant 0 : i32
    return %c0_i32, %c0_i32_0 : i32, i32
  }
  func.func @transform_3(%arg0: i32) -> (i32, i32) {
    %c0_i32 = arith.constant 0 : i32
    %c0_i32_0 = arith.constant 0 : i32
    %c0_i32_1 = arith.constant 0 : i32
    return %c0_i32, %c0_i32_0 : i32, i32
  }
  func.func @transform_4(%arg0: i32) -> (i32, i32, i32) {
    %c0_i32 = arith.constant 0 : i32
    %c0_i32_0 = arith.constant 0 : i32
    %c0_i32_1 = arith.constant 0 : i32
    return %c0_i32, %arg0, %c0_i32_0 : i32, i32, i32
  }
  func.func @transform_5(%arg0: i32) -> (i32, i32) {
    %c0_i32 = arith.constant 0 : i32
    %c0_i32_0 = arith.constant 0 : i32
    return %arg0, %c0_i32 : i32, i32
  }
  func.func @transform_6(%arg0: i32) -> (i32, i32) {
    %c0_i32 = arith.constant 0 : i32
    %c0_i32_0 = arith.constant 0 : i32
    return %arg0, %c0_i32 : i32, i32
  }
}

</mosaic_0001>

<sc_bundles>
// kernel: kernel.4.cloned.1.call-start
scs
__scs_entry_jumppad:
0x0: {  	(pc) =	sbr.rel $0x88, $3  }
0x1: {  	(tag) =	ssettag $0x0;
	lr =	simm.s32 $0x1  }
0x2: {  	[smem:$0x3F9E] =	sst lr;
	_ =	strace $0xD0000000  }
0x3: {  	_ = 	snop  }
0x4: {  	_ = 	snop  }
0x5: {  	_ = 	snop  }
0x6: {  	_ = 	snop  }
0x7: {  	_ = 	snop  }
__scs_overlays_trampoline_lowered:
0x8: {  	[smem:$0x3FAD] =	sst s0  }
0x9: {  	[smem:$0x3FAE] =	sst s1  }
0xa: {  	[smem:$0x3FAF] =	sst s2  }
0xb: {  	[smem:$0x3FB0] =	sst s3  }
0xc: {  	[smem:$0x3FB1] =	sst s4  }
0xd: {  	[smem:$0x3FB2] =	sst s5  }
0xe: {  	[smem:$0x3FB3] =	sst s6  }
0xf: {  	[smem:$0x3FB4] =	sst s7  }
0x10: {  	[smem:$0x3FB5] =	sst s8  }
0x11: {  	[smem:$0x3FB6] =	sst s9;
	s0 =	simm.s32 @!p0 $0x0  }
0x12: {  	s1 =	sld [smem:$0x3F9C];
	s0 =	simm.s32 @p0 $0x1  }
0x13: {  	[smem:$0x3FB7] =	sst s0;
	s0 =	simm.s32 @!p1 $0x0  }
0x14: {  	s2 =	sld [smem:$0x3F9B];
	s0 =	simm.s32 @p1 $0x1  }
0x15: {  	[smem:$0x3FB8] =	sst s0;
	s0 =	simm.s32 @!p2 $0x0  }
0x16: {  	s3 =	sld [smem:$0x3FDB];
	s0 =	simm.s32 @p2 $0x1  }
0x17: {  	s4 =	simm.s32 $0x1BF5;
	[smem:$0x3FBA] =	sst s0  }
0x18: {  	s0 =	sld [smem:$0x3F9D];
	_ =	swait.ge [sflag:s4], $0x0  }
0x19: {  	s7 =	sld [smem:$0x3F9E]  }
0x1a: {  	s8 =	sadd.s32 $0xFFFFE003, lr  }
0x1b: {  	s9 =	sadd.s32 $0xFFFFFEF7, lr;
	s5 =	simm.s32 $0xFFFFFFFF;
	p2 =	slt.u32 s8, $0xFFFFF086  }
0x1c: {  	p1 =	slt.u32 s9, $0xF7A;
	s5 =	simm.s32 @!p2 $0x0  }
0x1d: {  	s5 =	simm.s32 @p1 $0x1;
	p0 =	seq.s32 s7, s2  }
0x1e: {  	s7 =	smul.u32 @!p0 $0xF7A, s2;
	p2 =	seq.s32 @!p0 s5, $0x0  }
0x1f: {  	s9 =	smul.u32 $0xF7A, s1;
	s8 =	simm.s32 @!p0 $0x1BF5;
	p2 =	por !p2, p0  }
0x20: {  	[sflag:s8] =	ssyncset.s32 @!p0 $0xFFFFF086;
	s6 =	sadd.s32 @!p0 s3, s7;
	s7 =	simm.s32 @!p0 $0x108  }
0x21: {  	s3 =	sadd.s32 s3, s9;
	s6 =	sadd.s32 @!p0 $0x88, s6;
	s7 =	simm.s32 @p2 $0x1082  }
0x22: {  	[simem:s7], [sflag:s8] =	dma.local @!p0 [hbm:s6], $0xF7A  }
0x23: {  	s9 =	sor.u32 $0xD0000000, s2;
	s6 =	simm.s32 $0x108;
	_ =	swait.ge @!p0 [sflag:s8], $0x0  }
0x24: {  	s3 =	sadd.s32 $0x88, s3;
	s6 =	simm.s32 @!p1 $0x1082;
	[sflag:s4] =	ssyncset.s32 $0xFFFFF086  }
0x25: {  	[simem:s6], [sflag:s4] =	dma.local [hbm:s3], $0xF7A  }
0x26: {  	[smem:$0x3F9E] =	sst s1;
	(tag) =	ssettag s2;
	_ =	strace s9  }
0x27: {  	s1 =	sld [smem:$0x3FAE]  }
0x28: {  	s2 =	sld [smem:$0x3FAF]  }
0x29: {  	s4 =	sld [smem:$0x3FB1]  }
0x2a: {  	p0 =	seq.s32 s5, $0x0;
	s5 =	sld [smem:$0x3FB2]  }
0x2b: {  	s6 =	sld [smem:$0x3FB3]  }
0x2c: {  	s7 =	sld [smem:$0x3FB4]  }
0x2d: {  	s3 =	simm.s32 $0x108;
	s8 =	sld [smem:$0x3FB5]  }
0x2e: {  	s3 =	simm.s32 @!p0 $0x1082;
	s9 =	sld [smem:$0x3FB6]  }
0x2f: {  	lr =	sadd.s32 s0, s3;
	s0 =	sld [smem:$0x3FAD]  }
0x30: {  	s3 =	sld [smem:$0x3FB0]  }
0x31: {  	[smem:$0x3FB9] =	sst s10  }
0x32: {  	s10 =	sld [smem:$0x3FB7];
	_ =	sdelay $0x3  }
0x33: {  	p0 =	seq.s32 s10, $0x1;
	s10 =	sld [smem:$0x3FB9];
	_ =	sdelay $0x3  }
0x34: {  	[smem:$0x3FB9] =	sst s10  }
0x35: {  	s10 =	sld [smem:$0x3FB8];
	_ =	sdelay $0x3  }
0x36: {  	p1 =	seq.s32 s10, $0x1;
	s10 =	sld [smem:$0x3FB9];
	_ =	sdelay $0x3  }
0x37: {  	[smem:$0x3FB9] =	sst s10  }
0x38: {  	s10 =	sld [smem:$0x3FBA]  }
0x39: {  	_ = 	snop;
	(pc) =	sbr.ind lr, $3  }
0x3a: {  	_ = 	snop  }
0x3b: {  	_ = 	snop  }
0x3c: {  	p2 =	seq.s32 s10, $0x1;
	s10 =	sld [smem:$0x3FB9]  }
0x3d: {  	_ =	shalt  }
0x3e: {  	_ =	shalt  }
0x3f: {  	_ =	shalt  }
0x40: {  	_ =	shalt  }
0x41: {  	_ =	shalt  }
0x42: {  	_ =	shalt  }
0x43: {  	_ =	shalt  }
0x44: {  	_ =	shalt  }
0x45: {  	_ =	shalt  }
0x46: {  	_ =	shalt  }
0x47: {  	_ =	shalt  }
0x48: {  	_ =	shalt  }
0x49: {  	_ =	shalt  }
0x4a: {  	_ =	shalt  }
0x4b: {  	_ =	shalt  }
0x4c: {  	_ =	shalt  }
0x4d: {  	_ =	shalt  }
0x4e: {  	_ =	shalt  }
0x4f: {  	_ =	shalt  }
0x50: {  	_ =	shalt  }
0x51: {  	_ =	shalt  }
0x52: {  	_ =	shalt  }
0x53: {  	_ =	shalt  }
0x54: {  	_ =	shalt  }
0x55: {  	_ =	shalt  }
0x56: {  	_ =	shalt  }
0x57: {  	_ =	shalt  }
0x58: {  	_ =	shalt  }
0x59: {  	_ =	shalt  }
0x5a: {  	_ =	shalt  }
0x5b: {  	_ =	shalt  }
0x5c: {  	_ =	shalt  }
0x5d: {  	_ =	shalt  }
0x5e: {  	_ =	shalt  }
0x5f: {  	_ =	shalt  }
0x60: {  	_ =	shalt  }
0x61: {  	_ =	shalt  }
0x62: {  	_ =	shalt  }
0x63: {  	_ =	shalt  }
0x64: {  	_ =	shalt  }
0x65: {  	_ =	shalt  }
0x66: {  	_ =	shalt  }
0x67: {  	_ =	shalt  }
0x68: {  	_ =	shalt  }
0x69: {  	_ =	shalt  }
0x6a: {  	_ =	shalt  }
0x6b: {  	_ =	shalt  }
0x6c: {  	_ =	shalt  }
0x6d: {  	_ =	shalt  }
0x6e: {  	_ =	shalt  }
0x6f: {  	_ =	shalt  }
0x70: {  	_ =	shalt  }
0x71: {  	_ =	shalt  }
0x72: {  	_ =	shalt  }
0x73: {  	_ =	shalt  }
0x74: {  	_ =	shalt  }
0x75: {  	_ =	shalt  }
0x76: {  	_ =	shalt  }
0x77: {  	_ =	shalt  }
0x78: {  	_ =	shalt  }
0x79: {  	_ =	shalt  }
0x7a: {  	_ =	shalt  }
0x7b: {  	_ =	shalt  }
0x7c: {  	_ =	shalt  }
0x7d: {  	_ =	shalt  }
0x7e: {  	_ =	shalt  }
0x7f: {  	_ =	shalt  }
0x80: {  	_ =	shalt  }
0x81: {  	_ =	shalt  }
0x82: {  	_ =	shalt  }
0x83: {  	_ =	shalt  }
0x84: {  	_ =	shalt  }
0x85: {  	_ =	shalt  }
0x86: {  	_ =	shalt  }
0x87: {  	_ =	shalt  }
.Lfunc_end0:
.L_simem_size_0:
called_computation_lowered:
.L_overlay_start_0:
0x88: {  	s2 =	sld [smem:$0x3FD9]  }
0x89: {  	s3 =	sld [smem:$0x3FFE];
	_ =	sdelay $0x1  }
0x8a: {  	s1 =	srdreg.scid  }
0x8b: {  	s0 =	sand.u32 $0x1, s1  }
0x8c: {  	s15 =	sshll.u32 s0, $0xA;
	s2 =	sadd.s32 s3, s2  }
0x8d: {  	s2 =	sadd.s32 s2, s15  }
0x8e: {  	[smem:$0x3FC5] =	sst s2  }
0x8f: {  	_ = 	snop  }
0x90: {  	s2 =	sld [smem:$0x3FD0];
	_ =	sdelay $0x2  }
0x91: {  	s4 =	simm.s32 $0xA;
	s5 =	simm.s32 $0x10;
	s16 =	sld [smem:$0x3FC7]  }
0x92: {  	[smem:s5], [sflag:s4] =	dma.local [hbm:s2], $0x1  }
0x93: {  	_ =	swait.eq [sflag:s4], $0x1  }
0x94: {  	s17 =	sld [smem:$0x10];
	[sflag:s4] =	ssyncset.done $0x0  }
0x95: {  	s18 =	sld [smem:$0x11];
	[sflag:s4] =	ssyncadd.s32 $0xFFFFFFFF  }
0x96: {  	s19 =	sld [smem:$0x12];
	(tm) =	ssettm $0x1  }
0x97: {  	s6 =	sld [smem:$0x3FFB];
	_ =	sdelay $0x3  }
0x98: {  	_ =	strace s6  }
0x99: {  	s6 =	sld [smem:$0x3FFC];
	_ =	sdelay $0x3  }
0x9a: {  	_ =	strace s6  }
0x9b: {  	s6 =	sld [smem:$0x3FFD];
	_ =	sdelay $0x3  }
0x9c: {  	_ =	strace s6  }
0x9d: {  	_ =	strace $0x8FFFFFFF  }
0x9e: {  	s20 =	sld [smem:$0x3FDB];
	_ =	sdelay $0x1  }
0x9f: {  	s7 =	simm.s32 $_scs_section_size  }
0xa0: {  	s8 =	simm.s32 $_size__tile_overlayer_lowered;
	s9 =	simm.s32 $_tile_overlayer_lowered  }
0xa1: {  	s23 =	simm.s32 $0x1BFF;
	s22 =	sshll.u32 s9, $0x1;
	s6 =	sadd.s32 s7, s20  }
0xa2: {  	s10 =	simm.s32 $0x0;
	s21 =	sshll.u32 s8, $0x1;
	s8 =	sadd.s32 s22, s6  }
0xa3: {  	[timem:s10], [sflag:s23] =	dma.local [hbm:s8], s21  }
0xa4: {  	_ =	swait.ge [sflag:s23], s21  }
0xa5: {  	s7 =	ssub.s32 $0x0, s21;
	[sflag:s23] =	ssyncset.done $0x0  }
0xa6: {  	[sflag:s23] =	ssyncadd.s32 s7;
	_ =	sdelay $0x1  }
0xa7: {  	s24 =	simm.s32 $0x1B8B  }
0xa8: {  	_ =	swait.ge [sflag:s24], $0x1  }
0xa9: {  	[sflag:s24] =	ssyncset.done $0x0  }
0xaa: {  	s25 =	simm.s32 $0x1B8E;
	[sflag:s24] =	ssyncadd.s32 $0xFFFFFFFF  }
0xab: {  	s26 =	simm.s32 $execute0_lowered;
	[smem:$0x3FD2] =	sst s25  }
0xac: {  	s7 =	sshll.u32 s26, $0x1;
	_ =	strace $0x80000046;
	[dreg:$0x1] =	wrdreg $0xFFFFFFFF  }
0xad: {  	s28 =	simm.s32 $_size_execute0_lowered;
	s6 =	sadd.s32 s6, s7;
	[dreg:$0x0] =	wrdreg $0x0  }
0xae: {  	s7 =	sshll.u32 s28, $0x1;
	[dreg:$0x2] =	wrdreg s6  }
0xaf: {  	[dreg:$0x3] =	wrdreg s7  }
0xb0: {  	[dreg:$0x4] =	wrdreg $0xC0  }
0xb1: {  	_ =	task [dreg:s10], $0x5FFFF  }
0xb2: {  	[dreg:$0x1] =	wrdreg $0xFFFFFFFF  }
0xb3: {  	[dreg:$0x0] =	wrdreg $0x60  }
0xb4: {  	[dreg:$0x2] =	wrdreg s16  }
0xb5: {  	[dreg:$0x3] =	wrdreg s17  }
0xb6: {  	[dreg:$0x4] =	wrdreg s18  }
0xb7: {  	[dreg:$0x5] =	wrdreg s19  }
0xb8: {  	[dreg:$0x6] =	wrdreg $0x9  }
0xb9: {  	_ =	task.clear_ibuf [dreg:s10], $0x7FFFF;
	_ =	strace $0x90000046  }
0xba: {  	s29 =	simm.s32 $0x9;
	_ =	strace $0x80000048  }
0xbb: {  	_ =	swait.ge [sflag:s29], $0x1  }
0xbc: {  	[sflag:s29] =	ssyncadd.s32 $0xFFFFFFFF  }
0xbd: {  	_ =	strace $0x90000048  }
0xbe: {  	_ =	sfence  }
0xbf: {  	s30 =	sld [smem:$0x0];
	_ =	sdelay $0x2  }
0xc0: {  	s31 =	sshll.u32 s1, $0xD;
	s1 =	sshrl.u32 s1, $0x2  }
0xc1: {  	s3 =	sand.u32 $0x4000, s31;
	s1 =	sadd.s32 s1, s30  }
0xc2: {  	s0 =	sor.u32 s3, s0;
	s1 =	sshll.u32 s1, $0x11  }
0xc3: {  	s0 =	sor.u32 s1, s0  }
0xc4: {  	s0 =	sadd.s32 $0x8F2B, s0  }
0xc5: {  	[sflag:s0] =	ssyncadd.remote.s32 $0x1  }
0xc6: {  	_ =	sfence.sel $0xFFFF  }
0xc7: {  	[dreg:$0x0] =	wrdreg $0xFFFFFFFF;
	(pc) =	sbr.abs _section_cstart, $3  }
0xc8: {  	[dreg:$0x1] =	wrdreg $0xFFFFFFFF  }
0xc9: {  	_ =	task.clear_ibuf [dreg:s10], $0x2FFFF;
	_ =	strace $0x9FFFFFFF  }
0xca: {  	(tm) =	ssettm $0x7FFFFFFF  }
0xcb: {  	_ =	shalt  }
tec
execute0_lowered:
.L_overlay_start_1:
0x0: {  	(tag) =	ssettag $0x1  }
0x1: {  	s6 =	rddreg [dreg:$0x0]  }
0x2: {  	s1 =	rddreg [dreg:$0x1]  }
0x3: {  	s2 =	rddreg [dreg:$0x2]  }
0x4: {  	s5 =	rddreg [dreg:$0x3];
	s3 =	simm.s32 $0x0  }
0x5: {  	[smem:$0x7FF] =	sst s3  }
0x6: {  	s0 =	rddreg [dreg:$0x4];
	v0 =	vimm.f32 $9.899999610e+00;
	_ =	strace $0x80000047  }
0x7: {  	(erf) = vrcp.f32 v0;
	_ =	sdelay $0x1  }
0x8: {  	s7 =	srdreg.scid;
	s4 =	stileid.u32  }
0x9: {  	s11 =	simm.s32 $0x880;
	s12 =	simm.s32 $0x80;
	s13 =	simm.s32 $0x100  }
0xa: {  	s14 =	simm.s32 $0x900;
	s15 =	simm.s32 $0x1100;
	s7 =	sand.u32 $0x1, s7  }
0xb: {  	s8 =	sshll.u32 s4, $0xC;
	s9 =	sshll.u32 s7, $0xB;
	s7 =	ssub.s32 $0x2, s7  }
0xc: {  	s16 =	simm.s32 $0x0;
	s8 =	sor.u32 s9, s8;
	s10 =	sshrl.u32 s7, $0x1  }
0xd: {  	s9 =	sshrl.u32 s8, $0x2;
	s8 =	sshrl.u32 s8, $0x3;
	s31 =	ssub.s32 s7, s10  }
0xe: {  	s10 =	simm.s32 $0x800;
	s5 =	sadd.s32 s5, s9;
	s6 =	sadd.s32 s6, s8  }
0xf: {  	s8 =	smax.u32 s31, $0x1;
	s9 =	simm.s32 $0x1;
	s7 =	sadd.s32 $0x10, s5;
	v0 =	vpop (erf)  }
.LBB2_1:
0x10: {  	[tilespmem:s3], [sflag:$0x1] =	stream.linear.gather [hbm4b:s6+s3], $0x800, $0x38;
	[tilespmem:$0x1900] =	vst v63  }
0x11: {  	_ =	swait.ge [sflag:s9], $0x800  }
0x12: {  	[sflag:s9] =	ssyncset.done $0x0  }
0x13: {  	[sflag:s9] =	ssyncadd.s32 $0xFFFFF800  }
0x14: {  	[tilespmem:s10], [sflag:$0x1] =	stream.linear.gather [hbm4b:s1+s3], $0x80, $0x38;
	[tilespmem:$0x1900] =	vst v63  }
0x15: {  	_ =	swait.ge [sflag:s9], $0x80  }
0x16: {  	[sflag:s9] =	ssyncset.done $0x0  }
0x17: {  	[sflag:s9] =	ssyncadd.s32 $0xFFFFFF80  }
0x18: {  	[tilespmem:s11], [sflag:$0x1] =	stream.linear.gather [hbm4b:s2+s3], $0x80, $0x38;
	[tilespmem:$0x1900] =	vst v63  }
0x19: {  	_ =	swait.ge [sflag:s9], $0x80  }
0x1a: {  	[sflag:s9] =	ssyncset.done $0x0  }
0x1b: {  	s18 =	simm.s32 $0x0;
	[sflag:s9] =	ssyncadd.s32 $0xFFFFFF80  }
0x1c: {  	v1 =	vld [tilespmem:s18+$0x0];
	_ =	sdelay $0x4  }
0x1d: {  	v1 =	vadd.f32 $-1.000000010e-01, v1;
	_ =	sdelay $0x1  }
0x1e: {  	v1 =	vmul.f32 v1, v0;
	_ =	sdelay $0x1  }
0x1f: {  	v1 =	vmul.f32 $1.270000000e+02, v1;
	_ =	sdelay $0x1  }
0x20: {  	v3 =	vadd.f32 $-1.000000000e+00, v1  }
0x21: {  	s17 =	simm.s32 $0x10  }
0x22: {  	v2 =	vld [tilespmem:s17+$0x0];
	v3 =	vmax.f32 v3, $0.0e+00  }
0x23: {  	v3 =	vtrunc.f32 v3  }
0x24: {  	v3 =	vcvt.f32.s32 v3  }
0x25: {  	v1 =	vadd.f32 $1.000000000e+00, v1  }
0x26: {  	vm0 =	vlt.s32 v3, $0x7F  }
0x27: {  	v2 =	vadd.f32 $-1.000000010e-01, v2;
	v1 =	vmin.f32 v1, $1.270000000e+02;
	v3 =	vnsel vm0, $0x7F, v3  }
0x28: {  	v1 =	vtrunc.f32 v1  }
0x29: {  	v2 =	vmul.f32 v2, v0;
	v4 =	vcvt.f32.s32 v1;
	_ =	sdelay $0x1  }
0x2a: {  	v1 =	vmul.f32 $1.270000000e+02, v2;
	vm15 =	vgt.s32 v4, $0x0  }
0x2b: {  	v4 =	vnsel vm15, $0x0, v4;
	v2 =	vld.idx.msk [tilespmem:v3+s10+$0x0], $0xffff  }
0x2c: {  	v5 =	vadd.f32 $-1.000000000e+00, v1;
	v3 =	vmin.u32 v4, $0x7F;
	_ =	sdelay $0x1  }
0x2d: {  	s19 =	simm.s32 $0x20;
	s20 =	simm.s32 $0xC0;
	v4 =	vmax.f32 v5, $0.0e+00  }
.LBB2_2:
0x2e: {  	p0 =	sne.s32 s20, $0x1FC0;
	v5 =	vld [tilespmem:s19+$0x0];
	v4 =	vtrunc.f32 v4  }
0x2f: {  	v4 =	vcvt.f32.s32 v4;
	[tilespmem:s18+$0x900] =	vst v2  }
0x30: {  	v2 =	vld.idx.msk [tilespmem:v3+s11+$0x0], $0xffff  }
0x31: {  	v1 =	vadd.f32 $1.000000000e+00, v1;
	vm0 =	vlt.s32 v4, $0x7F  }
0x32: {  	v3 =	vnsel vm0, $0x7F, v4  }
0x33: {  	v1 =	vmin.f32 v1, $1.270000000e+02;
	v4 =	vadd.f32 $-1.000000010e-01, v5  }
0x34: {  	v1 =	vtrunc.f32 v1  }
0x35: {  	v5 =	vcvt.f32.s32 v1;
	v4 =	vmul.f32 v4, v0  }
0x36: {  	[tilespmem:s18+$0x1100] =	vst v2;
	s18 =	smov.u32 s17;
	s17 =	smov.u32 s19  }
.Ltmp0:
0x37: {  	vm0 =	vgt.s32 v5, $0x0;
	v1 =	vmul.f32 $1.270000000e+02, v4;
	v2 =	vld.idx.msk [tilespmem:v3+s10+$0x0], $0xffff;
	(pc) =	sbr.rel @p0 .LBB2_2-.Ltmp0, $3  }
0x38: {  	v3 =	vnsel vm0, $0x0, v5  }
0x39: {  	v3 =	vmin.u32 v3, $0x7F;
	v4 =	vadd.f32 $-1.000000000e+00, v1;
	_ =	sdelay $0x1  }
0x3a: {  	s19 =	sshra.s32 s20, $0x2;
	s20 =	sadd.s32 $0x40, s20;
	v4 =	vmax.f32 v4, $0.0e+00  }
0x3b: {  	v5 =	vld [tilespmem:s19+$0x0];
	_ =	sdelay $0x1  }
0x3c: {  	v4 =	vtrunc.f32 v4  }
0x3d: {  	v4 =	vcvt.f32.s32 v4  }
0x3e: {  	[tilespmem:s18+$0x900] =	vst v2;
	v1 =	vadd.f32 $1.000000000e+00, v1  }
0x3f: {  	v2 =	vld.idx.msk [tilespmem:v3+s11+$0x0], $0xffff;
	vm0 =	vlt.s32 v4, $0x7F;
	v3 =	vadd.f32 $-1.000000010e-01, v5  }
0x40: {  	v1 =	vmin.f32 v1, $1.270000000e+02;
	v4 =	vnsel vm0, $0x7F, v4  }
0x41: {  	v1 =	vtrunc.f32 v1;
	v3 =	vmul.f32 v3, v0  }
0x42: {  	v1 =	vcvt.f32.s32 v1  }
0x43: {  	v3 =	vmul.f32 $1.270000000e+02, v3  }
0x44: {  	[tilespmem:s18+$0x1100] =	vst v2;
	vm13 =	vgt.s32 v1, $0x0  }
0x45: {  	v1 =	vnsel vm13, $0x0, v1;
	v2 =	vld.idx.msk [tilespmem:v4+s10+$0x0], $0xffff;
	v63 =	vadd.f32 $-1.000000000e+00, v3  }
0x46: {  	v1 =	vmin.u32 v1, $0x7F  }
0x47: {  	v4 =	vmax.f32 v63, $0.0e+00  }
0x48: {  	v4 =	vtrunc.f32 v4  }
0x49: {  	v4 =	vcvt.f32.s32 v4  }
0x4a: {  	[tilespmem:s17+$0x900] =	vst v2;
	v2 =	vadd.f32 $1.000000000e+00, v3  }
0x4b: {  	v1 =	vld.idx.msk [tilespmem:v1+s11+$0x0], $0xffff;
	vm14 =	vlt.s32 v4, $0x7F  }
0x4c: {  	v2 =	vmin.f32 v2, $1.270000000e+02;
	v3 =	vnsel vm14, $0x7F, v4  }
0x4d: {  	v2 =	vtrunc.f32 v2  }
0x4e: {  	v2 =	vcvt.f32.s32 v2;
	_ =	sdelay $0x1  }
0x4f: {  	[tilespmem:s17+$0x1100] =	vst v1;
	vm15 =	vgt.s32 v2, $0x0  }
0x50: {  	v2 =	vnsel vm15, $0x0, v2;
	v1 =	vld.idx.msk [tilespmem:v3+s10+$0x0], $0xffff  }
0x51: {  	v2 =	vmin.u32 v2, $0x7F;
	_ =	sdelay $0x3  }
0x52: {  	[tilespmem:s19+$0x900] =	vst v1  }
0x53: {  	v1 =	vld.idx.msk [tilespmem:v2+s11+$0x0], $0xffff;
	_ =	sdelay $0x4  }
0x54: {  	[tilespmem:s19+$0x1100] =	vst v1  }
0x55: {  	[hbm4b:s5+s12] =	stream.strided.scatter [tilespmem:s14], [sflag:$0x1], $0x800, s13, s12, $0x38;
	[tilespmem:$0x1900] =	vst v63  }
0x56: {  	s16 =	sadd.s32 $0x1, s16;
	_ =	swait.ge [sflag:s9], $0x800  }
0x57: {  	p0 =	sne.s32 s16, s8;
	[sflag:s9] =	ssyncset.done $0x0  }
.Ltmp1:
0x58: {  	[sflag:s9] =	ssyncadd.s32 $0xFFFFF800;
	(pc) =	sbr.rel @p0 .LBB2_1-.Ltmp1, $4  }
0x59: {  	[hbm4b:s7+s12] =	stream.strided.scatter [tilespmem:s15], [sflag:$0x1], $0x800, s13, s12, $0x38;
	[tilespmem:$0x1900] =	vst v63  }
0x5a: {  	_ =	swait.ge [sflag:s9], $0x800  }
0x5b: {  	[sflag:s9] =	ssyncset.done $0x0  }
0x5c: {  	[sflag:s9] =	ssyncadd.s32 $0xFFFFF800  }
0x5d: {  	_ =	sfence.sel $0x180000  }
0x5e: {  	[bflag:$0x0] =	sbarrier.arrive $0xFFFF  }
0x5f: {  	p0 =	sne.s32 s4, $0x0;
	_ =	strace $0x90000047  }
0x60: {  	s0 =	sadd.s32 @!p0 $0x100000, s0;
	[bflag:$0x2] =	sbarrier.arrive $0xFFFF  }
0x61: {  	[sflag:s0] =	ssyncadd.tile.s32 @!p0 $0x1;
	_ =	shalt  }
.Lfunc_end2:
_tile_overlayer_lowered:
.L_overlay_start_2:
0x62: {  	(tag) =	ssettag $0x2  }
0x63: {  	s0 =	rddreg [dreg:$0x0];
	s2 =	stileid.u32  }
0x64: {  	s1 =	rddreg [dreg:$0x1];
	p0 =	sne.s32 s2, $0x0  }
0x65: {  	s3 =	rddreg [dreg:$0x2];
	[bflag:$0x3] =	sbarrier.arrive $0xFFFF;
	s2 =	simm.s32 @!p0 $0x1C01  }
0x66: {  	[timem:s3], [sflag:s2] =	dma.local @!p0 [hbm:s0], s1  }
0x67: {  	s0 =	simm.s32 @!p0 $0x1  }
0x68: {  	_ =	swait.ge @!p0 [sflag:s0], s1  }
0x69: {  	s1 =	ssub.s32 @!p0 $0x0, s1;
	[sflag:s0] =	ssyncset.done @!p0 $0x0  }
0x6a: {  	[sflag:s0] =	ssyncadd.s32 @!p0 s1  }
0x6b: {  	[bflag:$0x3] =	sbarrier.arrive $0xFFFF  }
0x6c: {  	_ =	shalt  }

</sc_bundles>
